<compile_context>
chip_gen: v7x
topology: tpu7x:2x2x1
jax: 0.10.2.dev20260603
libtpu: 0.0.44.dev20260713+nightly
codegen_flags: <defaults>
</compile_context>

<pallas_src>
import dataclasses

import jax
import jax.numpy as jnp
from jax import lax
from jax.experimental import pallas as pl
from jax.experimental.pallas import tpu as pltpu
from jax.experimental.pallas import tpu_sc as plsc

N = 10000
NP = 10240
E = 160000
EP = 163840
C = 256
CH = 128
NT = 16
K = 100
GCH = (E // NT) // K
HROWS = 80
DROWS = EP // 32 // 128
HALF = 5000
DUMP = HALF
SROWS = 5008
NB = 10
BR = 1000

_mesh = plsc.VectorSubcoreMesh(core_axis_name="c", subcore_axis_name="s")

_cp = pltpu.CompilerParams()
if "needs_layout_passes" in pltpu.CompilerParams.__dataclass_fields__:
    _cp = dataclasses.replace(_cp, needs_layout_passes=False)


def _deg_body(src_hbm, out_hbm, srcv, hist):
    c = lax.axis_index("c")
    s = lax.axis_index("s")
    w = c * NT + s

    pltpu.sync_copy(src_hbm.at[w], srcv)

    @pl.loop(0, HROWS)
    def _zero(r):
        for cc in range(8):
            hist[r, pl.ds(cc * 16, 16)] = jnp.zeros((16,), jnp.float32)

    ones = jnp.full((16,), 1.0, jnp.float32)

    @pl.loop(0, DROWS)
    def _rows(r):
        for cc in range(8):
            idx = srcv[r, pl.ds(cc * 16, 16)]
            plsc.addupdate_scatter(hist, [idx >> 7, idx & 127], ones)

    pltpu.sync_copy(hist, out_hbm.at[w])


@jax.jit
def _degree(src_d):
    k = pl.kernel(
        _deg_body,
        out_type=jax.ShapeDtypeStruct((32, HROWS, 128), jnp.float32),
        mesh=_mesh,
        compiler_params=_cp,
        scratch_types=[
            pltpu.VMEM((DROWS, 128), jnp.int32),
            pltpu.VMEM((HROWS, 128), jnp.float32),
        ],
    )
    return k(src_d)


def _dis_body(hist_ref, dis_ref):
    deg = jnp.sum(hist_ref[...], axis=0)
    dis_ref[...] = jnp.where(deg > 0.0, lax.rsqrt(jnp.maximum(deg, 1.0)), 0.0)


@jax.jit
def _dis_grid(hist):
    return pl.pallas_call(
        _dis_body,
        out_shape=jax.ShapeDtypeStruct((HROWS, 128), jnp.float32),
    )(hist)


def _proj_body(dis_ref, x_ref, w_ref, y_ref):
    xp = jnp.dot(x_ref[...], w_ref[...], preferred_element_type=jnp.float32)
    y = xp * dis_ref[...]
    y_ref[0] = y[:, :CH]
    y_ref[1] = y[:, CH:]


@jax.jit
def _project(dis, x, W):
    return pl.pallas_call(
        _proj_body,
        grid=(NB,),
        in_specs=[
            pl.BlockSpec((BR, 1), lambda i: (i, 0)),
            pl.BlockSpec((BR, C), lambda i: (i, 0)),
            pl.BlockSpec((C, C), lambda i: (0, 0)),
        ],
        out_specs=pl.BlockSpec((2, BR, CH), lambda i: (0, i, 0)),
        out_shape=jax.ShapeDtypeStruct((2, N, CH), jnp.float32),
    )(dis, x, W)


ERT = EP // NT // 128
GCH2 = 104


def _segsum_body(y_hbm, src_hbm, dst_hbm, zeros_hbm, fsrc_hbm, fdst_hbm,
                 lo_hbm, hi_hbm, srcv, dstv, csrc, cdst,
                 buf0, buf1, buf2, slab, sem0, sem1, sem2,
                 ssem0, ssem1, ssem2):
    c = lax.axis_index("c")
    s = lax.axis_index("s")

    pltpu.sync_copy(src_hbm.at[s], srcv)
    pltpu.sync_copy(dst_hbm.at[s], dstv)
    pltpu.sync_copy(fsrc_hbm, csrc)
    pltpu.sync_copy(fdst_hbm, cdst)

    def _zero_slab():
        pltpu.sync_copy(zeros_hbm.at[pl.ds(s * 312, 312)],
                        slab.at[pl.ds(s * 312, 312)])

        @pl.when(s == 0)
        def _ztail():
            pltpu.sync_copy(zeros_hbm.at[pl.ds(4992, 16)],
                            slab.at[pl.ds(4992, 16)])

    _zero_slab()

    def _route(v, sv, cnt0, cnt1):
        m0 = v < HALF
        m1 = (v >= HALF) & (v < N)
        p0 = cnt0 + jnp.cumsum(m0.astype(jnp.int32)) - 1
        p1 = (GCH2 * K - 1) - (cnt1 + jnp.cumsum(m1.astype(jnp.int32)) - 1)
        plsc.store_scatter(csrc, [p0 // K, p0 % K], sv, mask=m0)
        plsc.store_scatter(cdst, [p0 // K, p0 % K], v, mask=m0)
        plsc.store_scatter(csrc, [p1 // K, p1 % K], sv, mask=m1)
        plsc.store_scatter(cdst, [p1 // K, p1 % K], v - HALF, mask=m1)
        return (cnt0 + plsc.all_reduce_population_count(m0),
                cnt1 + plsc.all_reduce_population_count(m1))

    def _comp(r, carry):
        cnt0, cnt1 = carry
        for cc in range(8):
            sl = pl.ds(cc * 16, 16)
            cnt0, cnt1 = _route(dstv[r, sl], srcv[r, sl], cnt0, cnt1)
        return (cnt0, cnt1)

    zero16 = jnp.zeros((16,), jnp.int32)
    cnt0v, cnt1v = lax.fori_loop(0, ERT, _comp, (zero16, zero16))
    cnt0 = jnp.max(cnt0v)
    cnt1 = jnp.max(cnt1v)
    plsc.subcore_barrier()

    def _stream(ci, row, cnt, out_hbm):
        yc = y_hbm.at[ci]
        bufs = (buf0, buf1, buf2)
        gsems = (sem0, sem1, sem2)
        ssems = (ssem0, ssem1, ssem2)

        @pl.when(cnt > 0)
        def _p0():
            pltpu.async_copy(yc.at[csrc.at[row(0)]], buf0, sem0)

        @pl.when(K < cnt)
        def _p1():
            pltpu.async_copy(yc.at[csrc.at[row(1)]], buf1, sem1)

        @pl.loop(0, GCH2 + 1, step=3)
        def _(j):
            for t in range(3):
                k = j + t
                b = bufs[t]
                gs = gsems[t]
                ss = ssems[t]
                pb = bufs[(t + 2) % 3]
                pss = ssems[(t + 2) % 3]
                ck = k * K < cnt

                @pl.when(ck)
                def _wg():
                    pltpu.make_async_copy(yc.at[csrc.at[row(k)]], b,
                                          gs).wait()

                @pl.when(ck)
                def _ss():
                    pltpu.async_copy(b, slab.at[cdst.at[row(k)]], ss,
                                     add=True)

                @pl.when((k >= 1) & ((k - 1) * K < cnt))
                def _wsp():
                    pltpu.make_async_copy(pb, slab.at[cdst.at[row(k - 1)]],
                                          pss).wait()

                @pl.when((k + 2) * K < cnt)
                def _sg():
                    pltpu.async_copy(yc.at[csrc.at[row(k + 2)]], pb,
                                     gsems[(t + 2) % 3])

        plsc.subcore_barrier()
        pltpu.sync_copy(slab.at[pl.ds(s * 312, 312)],
                        out_hbm.at[ci, pl.ds(s * 312, 312)])

        @pl.when(s == 0)
        def _wtail():
            pltpu.sync_copy(slab.at[pl.ds(4992, 16)],
                            out_hbm.at[ci, pl.ds(4992, 16)])

    def run(ci):
        _stream(ci, lambda j: j, cnt0, lo_hbm)
        _zero_slab()
        plsc.subcore_barrier()
        _stream(ci, lambda j: GCH2 - 1 - j, cnt1, hi_hbm)

    @pl.when(c == 0)
    def _c0():
        run(0)

    @pl.when(c == 1)
    def _c1():
        run(1)


@jax.jit
def _segsum(y, src_c, dst_c, zeros_slab, fill_src, fill_dst):
    k = pl.kernel(
        _segsum_body,
        out_type=[jax.ShapeDtypeStruct((2, SROWS, CH), jnp.float32),
                  jax.ShapeDtypeStruct((2, SROWS, CH), jnp.float32)],
        mesh=_mesh,
        compiler_params=_cp,
        scratch_types=[
            pltpu.VMEM((ERT, 128), jnp.int32),
            pltpu.VMEM((ERT, 128), jnp.int32),
            pltpu.VMEM((GCH2, K), jnp.int32),
            pltpu.VMEM((GCH2, K), jnp.int32),
            pltpu.VMEM((K, CH), jnp.float32),
            pltpu.VMEM((K, CH), jnp.float32),
            pltpu.VMEM((K, CH), jnp.float32),
            pltpu.VMEM_SHARED((SROWS, CH), jnp.float32),
            pltpu.SemaphoreType.DMA,
            pltpu.SemaphoreType.DMA,
            pltpu.SemaphoreType.DMA,
            pltpu.SemaphoreType.DMA,
            pltpu.SemaphoreType.DMA,
            pltpu.SemaphoreType.DMA,
        ],
    )
    return k(y, src_c, dst_c, zeros_slab, fill_src, fill_dst)


def _fin_body(lo_ref, hi_ref, dis_ref, b_ref, out_ref):
    i = pl.program_id(0)
    dis = dis_ref[...]
    bias = b_ref[...]

    @pl.when(i < 5)
    def _lo():
        o = jnp.concatenate([lo_ref[0], lo_ref[1]], axis=1)
        out_ref[...] = o * dis + bias

    @pl.when(i >= 5)
    def _hi():
        o = jnp.concatenate([hi_ref[0], hi_ref[1]], axis=1)
        out_ref[...] = o * dis + bias


@jax.jit
def _finalize(out_lo, out_hi, dis, b2):
    return pl.pallas_call(
        _fin_body,
        grid=(NB,),
        in_specs=[
            pl.BlockSpec((2, 1000, CH), lambda i: (0, i % 5, 0)),
            pl.BlockSpec((2, 1000, CH), lambda i: (0, i % 5, 0)),
            pl.BlockSpec((1000, 1), lambda i: (i, 0)),
            pl.BlockSpec((1, C), lambda i: (0, 0)),
        ],
        out_specs=pl.BlockSpec((1000, C), lambda i: (i, 0)),
        out_shape=jax.ShapeDtypeStruct((N, C), jnp.float32),
    )(out_lo, out_hi, dis, b2)


def kernel(x, edge_index_K, W, b):
    edge = edge_index_K.astype(jnp.int32)
    src = edge[0]
    dst = edge[1]
    src_d = jnp.concatenate(
        [src, jnp.full((EP - E,), NP - 1, jnp.int32)]).reshape(32, DROWS, 128)
    epad = EP - E
    src_c = jnp.concatenate([src, jnp.zeros((epad,), jnp.int32)]
                            ).reshape(NT, ERT, 128)
    dst_c = jnp.concatenate([dst, jnp.full((epad,), N, jnp.int32)]
                            ).reshape(NT, ERT, 128)
    fill_src = jnp.zeros((GCH2, K), jnp.int32)
    fill_dst = jnp.full((GCH2, K), DUMP, jnp.int32)
    zeros_slab = jnp.zeros((SROWS, CH), jnp.float32)

    dis = _dis_grid(_degree(src_d)).reshape(NP, 1)[:N]
    y = _project(dis, x, W)
    out_lo, out_hi = _segsum(y, src_c, dst_c, zeros_slab, fill_src, fill_dst)
    return _finalize(out_lo, out_hi, dis, b.reshape(1, C))

# --- scband reference (transcript-rebuilt; emitter-appended) ---
"""Pipeline reference for scband-gcnmulti-kernel-8280696946866 (READ-ONLY COPY).

The authoritative reference and input builder live on the scoring server;
editing this copy changes nothing except your own understanding.
"""

import jax, jax.numpy as jnp
import numpy as np

N = 10000
E = 160000
C_IN = 256
C_OUT = 256


def setup_inputs(seed: int = 0) -> dict:
    key = jax.random.key(seed)
    k1, k2, k3, k4 = jax.random.split(key, 4)
    x = jax.random.normal(k1, (N, C_IN), dtype=jnp.float32)
    edge_index_K = jax.random.randint(k2, (2, E), 0, N)
    W = jax.random.normal(k3, (C_IN, C_OUT), dtype=jnp.float32) * (1.0 / np.sqrt(C_IN))
    b = jnp.zeros((C_OUT,), dtype=jnp.float32)
    return {"x": x, "edge_index_K": edge_index_K, "W": W, "b": b}


def _node_model_additive(x, edge_index, W, b):
    # NodeModelAdditive: linear projection + symmetric degree norm ('sm')
    # + scatter-add aggregation over edges (aggr='add') + bias.
    n = x.shape[0]
    src = edge_index[0]
    dst = edge_index[1]
    x_proj = x @ W  # (N, C_out)
    # out-degree from source nodes
    deg = jnp.zeros((n,), dtype=x.dtype).at[src].add(1.0)
    deg_inv_sqrt = jnp.where(deg > 0, jax.lax.rsqrt(jnp.maximum(deg, 1.0)), 0.0)
    # symmetric normalization per edge
    norm = deg_inv_sqrt[src] * deg_inv_sqrt[dst]
    msgs = x_proj[src] * norm[:, None]  # gather + per-edge scale
    out = jnp.zeros((n, x_proj.shape[1]), dtype=x.dtype).at[dst].add(msgs)  # scatter-add
    return out + b


def reference(x, edge_index_K, W, b):
    # GCNMultiKernel with num_kernel=1, kernel_combine='add':
    # xo = sum_k node_models[k](x, edge_index_k) ; single kernel here.
    xo = _node_model_additive(x, edge_index_K, W, b)
    return xo

if __name__ == "__main__":
    import jax
    _d = setup_inputs()
    print(jax.jit(kernel)(*tuple(_d.values())))

</pallas_src>

<mosaic_0001>
#map = affine_map<(d0, d1) -> (0, 0, 0)>
module attributes {stable_mosaic.version = 14 : i64} {
  func.func @_deg_body(%arg0: i32, %arg1: i32, %arg2: memref<32x40x128xi32, #tpu.memory_space<hbm>>, %arg3: memref<32x80x128xf32, #tpu.memory_space<hbm>>, %arg4: memref<40x128xi32, #tpu.memory_space<vmem>>, %arg5: memref<80x128xf32, #tpu.memory_space<vmem>>) attributes {dimension_semantics = [#tpu.dimension_semantics<core_parallel>, #tpu.dimension_semantics<subcore_parallel>], iteration_bounds = array<i64: 2, 16>, scalar_prefetch = 0 : i64, scratch_operands = 2 : i64, tpu.core_type = #tpu.core_type<sc_vector_subcore>, window_params = [{transform_indices = #map}, {transform_indices = #map}]} {
    %mul3A = arith.constant 16 : i32
    %mul3A_0 = arith.muli %arg0, %mul3A : i32
    %add3A = arith.addi %mul3A_0, %arg1 : i32
    "tpu.region"() ({
      %run_scoped3A = tpu.sem_alloc : memref<!tpu.dma_semaphore, #tpu.memory_space<semaphore_mem>>
      %dma_start3A = arith.constant 0 : i32
      %dma_start3A_11 = arith.constant 0 : i32
      %dma_start3A_12 = tpu.memref_slice %arg2[%add3A, %dma_start3A, %dma_start3A_11] : memref<32x40x128xi32, #tpu.memory_space<hbm>> -> memref<1x40x128xi32, #tpu.memory_space<hbm>>
      %dma_start3A_13 = tpu.memref_squeeze %dma_start3A_12 : memref<1x40x128xi32, #tpu.memory_space<hbm>> -> memref<40x128xi32, #tpu.memory_space<hbm>>
      %dma_start3A_14 = arith.constant 0 : i32
      %dma_start3A_15 = arith.constant 0 : i32
      %dma_start3A_16 = tpu.memref_slice %arg2[%add3A, %dma_start3A_14, %dma_start3A_15] : memref<32x40x128xi32, #tpu.memory_space<hbm>> -> memref<1x40x128xi32, #tpu.memory_space<hbm>>
      %dma_start3A_17 = tpu.memref_squeeze %dma_start3A_16 : memref<1x40x128xi32, #tpu.memory_space<hbm>> -> memref<40x128xi32, #tpu.memory_space<hbm>>
      tpu.enqueue_dma source(%dma_start3A_17 : memref<40x128xi32, #tpu.memory_space<hbm>>) target(%arg4 : memref<40x128xi32, #tpu.memory_space<vmem>>) target_semaphore(%run_scoped3A : memref<!tpu.dma_semaphore, #tpu.memory_space<semaphore_mem>>)
      %dma_wait3A = arith.constant 0 : i32
      %dma_wait3A_18 = arith.constant 0 : i32
      %dma_wait3A_19 = tpu.memref_slice %arg2[%add3A, %dma_wait3A, %dma_wait3A_18] : memref<32x40x128xi32, #tpu.memory_space<hbm>> -> memref<1x40x128xi32, #tpu.memory_space<hbm>>
      %dma_wait3A_20 = tpu.memref_squeeze %dma_wait3A_19 : memref<1x40x128xi32, #tpu.memory_space<hbm>> -> memref<40x128xi32, #tpu.memory_space<hbm>>
      %dma_wait3A_21 = arith.constant 0 : i32
      %dma_wait3A_22 = arith.constant 0 : i32
      %dma_wait3A_23 = tpu.memref_slice %arg2[%add3A, %dma_wait3A_21, %dma_wait3A_22] : memref<32x40x128xi32, #tpu.memory_space<hbm>> -> memref<1x40x128xi32, #tpu.memory_space<hbm>>
      %dma_wait3A_24 = tpu.memref_squeeze %dma_wait3A_23 : memref<1x40x128xi32, #tpu.memory_space<hbm>> -> memref<40x128xi32, #tpu.memory_space<hbm>>
      tpu.wait_dma2 semaphore(%run_scoped3A : memref<!tpu.dma_semaphore, #tpu.memory_space<semaphore_mem>>) src(%dma_wait3A_24 : memref<40x128xi32, #tpu.memory_space<hbm>>) dst(%arg4 : memref<40x128xi32, #tpu.memory_space<vmem>>)
      tpu.yield
    }) : () -> ()
    %scan3A = arith.constant 0 : i32
    %scan3A_1 = arith.constant 80 : i32
    %scan3A_2 = arith.addi %scan3A, %scan3A_1 : i32
    %scan3A_3 = arith.constant 1 : i32
    scf.for %scan3A_11 = %scan3A to %scan3A_2 step %scan3A_3  : i32 {
      %mul3A_12 = arith.constant 1 : i32
      %mul3A_13 = arith.muli %scan3A_11, %mul3A_12 : i32
      %add3A_14 = arith.constant 0 : i32
      %add3A_15 = arith.addi %add3A_14, %mul3A_13 : i32
      %broadcast_in_dim3A_16 = arith.constant 0.000000e+00 : f32
      %broadcast_in_dim3A_17 = vector.broadcast %broadcast_in_dim3A_16 : f32 to vector<16xf32>
      %swap3A = arith.index_cast %add3A_15 : i32 to index
      %swap3A_18 = arith.constant 0 : index
      %swap3A_19 = tpu.vector_load %arg5[%swap3A, %swap3A_18] {strides = array<i32>} : memref<80x128xf32, #tpu.memory_space<vmem>>, vector<16xf32>,
      tpu.vector_store %arg5[%swap3A, %swap3A_18], %broadcast_in_dim3A_17 {strides = array<i32>} : memref<80x128xf32, #tpu.memory_space<vmem>>, vector<16xf32>,
      %broadcast_in_dim3A_20 = arith.constant 0.000000e+00 : f32
      %broadcast_in_dim3A_21 = vector.broadcast %broadcast_in_dim3A_20 : f32 to vector<16xf32>
      %swap3A_22 = arith.index_cast %add3A_15 : i32 to index
      %swap3A_23 = arith.constant 16 : index
      %swap3A_24 = tpu.vector_load %arg5[%swap3A_22, %swap3A_23] {strides = array<i32>} : memref<80x128xf32, #tpu.memory_space<vmem>>, vector<16xf32>,
      tpu.vector_store %arg5[%swap3A_22, %swap3A_23], %broadcast_in_dim3A_21 {strides = array<i32>} : memref<80x128xf32, #tpu.memory_space<vmem>>, vector<16xf32>,
      %broadcast_in_dim3A_25 = arith.constant 0.000000e+00 : f32
      %broadcast_in_dim3A_26 = vector.broadcast %broadcast_in_dim3A_25 : f32 to vector<16xf32>
      %swap3A_27 = arith.index_cast %add3A_15 : i32 to index
      %swap3A_28 = arith.constant 32 : index
      %swap3A_29 = tpu.vector_load %arg5[%swap3A_27, %swap3A_28] {strides = array<i32>} : memref<80x128xf32, #tpu.memory_space<vmem>>, vector<16xf32>,
      tpu.vector_store %arg5[%swap3A_27, %swap3A_28], %broadcast_in_dim3A_26 {strides = array<i32>} : memref<80x128xf32, #tpu.memory_space<vmem>>, vector<16xf32>,
      %broadcast_in_dim3A_30 = arith.constant 0.000000e+00 : f32
      %broadcast_in_dim3A_31 = vector.broadcast %broadcast_in_dim3A_30 : f32 to vector<16xf32>
      %swap3A_32 = arith.index_cast %add3A_15 : i32 to index
      %swap3A_33 = arith.constant 48 : index
      %swap3A_34 = tpu.vector_load %arg5[%swap3A_32, %swap3A_33] {strides = array<i32>} : memref<80x128xf32, #tpu.memory_space<vmem>>, vector<16xf32>,
      tpu.vector_store %arg5[%swap3A_32, %swap3A_33], %broadcast_in_dim3A_31 {strides = array<i32>} : memref<80x128xf32, #tpu.memory_space<vmem>>, vector<16xf32>,
      %broadcast_in_dim3A_35 = arith.constant 0.000000e+00 : f32
      %broadcast_in_dim3A_36 = vector.broadcast %broadcast_in_dim3A_35 : f32 to vector<16xf32>
      %swap3A_37 = arith.index_cast %add3A_15 : i32 to index
      %swap3A_38 = arith.constant 64 : index
      %swap3A_39 = tpu.vector_load %arg5[%swap3A_37, %swap3A_38] {strides = array<i32>} : memref<80x128xf32, #tpu.memory_space<vmem>>, vector<16xf32>,
      tpu.vector_store %arg5[%swap3A_37, %swap3A_38], %broadcast_in_dim3A_36 {strides = array<i32>} : memref<80x128xf32, #tpu.memory_space<vmem>>, vector<16xf32>,
      %broadcast_in_dim3A_40 = arith.constant 0.000000e+00 : f32
      %broadcast_in_dim3A_41 = vector.broadcast %broadcast_in_dim3A_40 : f32 to vector<16xf32>
      %swap3A_42 = arith.index_cast %add3A_15 : i32 to index
      %swap3A_43 = arith.constant 80 : index
      %swap3A_44 = tpu.vector_load %arg5[%swap3A_42, %swap3A_43] {strides = array<i32>} : memref<80x128xf32, #tpu.memory_space<vmem>>, vector<16xf32>,
      tpu.vector_store %arg5[%swap3A_42, %swap3A_43], %broadcast_in_dim3A_41 {strides = array<i32>} : memref<80x128xf32, #tpu.memory_space<vmem>>, vector<16xf32>,
      %broadcast_in_dim3A_45 = arith.constant 0.000000e+00 : f32
      %broadcast_in_dim3A_46 = vector.broadcast %broadcast_in_dim3A_45 : f32 to vector<16xf32>
      %swap3A_47 = arith.index_cast %add3A_15 : i32 to index
      %swap3A_48 = arith.constant 96 : index
      %swap3A_49 = tpu.vector_load %arg5[%swap3A_47, %swap3A_48] {strides = array<i32>} : memref<80x128xf32, #tpu.memory_space<vmem>>, vector<16xf32>,
      tpu.vector_store %arg5[%swap3A_47, %swap3A_48], %broadcast_in_dim3A_46 {strides = array<i32>} : memref<80x128xf32, #tpu.memory_space<vmem>>, vector<16xf32>,
      %broadcast_in_dim3A_50 = arith.constant 0.000000e+00 : f32
      %broadcast_in_dim3A_51 = vector.broadcast %broadcast_in_dim3A_50 : f32 to vector<16xf32>
      %swap3A_52 = arith.index_cast %add3A_15 : i32 to index
      %swap3A_53 = arith.constant 112 : index
      %swap3A_54 = tpu.vector_load %arg5[%swap3A_52, %swap3A_53] {strides = array<i32>} : memref<80x128xf32, #tpu.memory_space<vmem>>, vector<16xf32>,
      tpu.vector_store %arg5[%swap3A_52, %swap3A_53], %broadcast_in_dim3A_51 {strides = array<i32>} : memref<80x128xf32, #tpu.memory_space<vmem>>, vector<16xf32>,
    }
    %scan3A_4 = arith.constant 80 : i32
    %broadcast_in_dim3A = arith.constant 1.000000e+00 : f32
    %broadcast_in_dim3A_5 = vector.broadcast %broadcast_in_dim3A : f32 to vector<16xf32>
    %scan3A_6 = arith.constant 0 : i32
    %scan3A_7 = arith.constant 40 : i32
    %scan3A_8 = arith.addi %scan3A_6, %scan3A_7 : i32
    %scan3A_9 = arith.constant 1 : i32
    scf.for %scan3A_11 = %scan3A_6 to %scan3A_8 step %scan3A_9  : i32 {
      %mul3A_12 = arith.constant 1 : i32
      %mul3A_13 = arith.muli %scan3A_11, %mul3A_12 : i32
      %add3A_14 = arith.constant 0 : i32
      %add3A_15 = arith.addi %add3A_14, %mul3A_13 : i32
      %get3A = arith.index_cast %add3A_15 : i32 to index
      %get3A_16 = arith.constant 0 : index
      %get3A_17 = tpu.vector_load %arg4[%get3A, %get3A_16] {strides = array<i32>} : memref<40x128xi32, #tpu.memory_space<vmem>>, vector<16xi32>,
      %shift_right_arithmetic3A = arith.constant 7 : i32
      %shift_right_arithmetic3A_18 = vector.broadcast %shift_right_arithmetic3A : i32 to vector<16xi32>
      %shift_right_arithmetic3A_19 = arith.shrsi %get3A_17, %shift_right_arithmetic3A_18 : vector<16xi32>
      %and3A = arith.constant 127 : i32
      %and3A_20 = vector.broadcast %and3A : i32 to vector<16xi32>
      %and3A_21 = arith.andi %get3A_17, %and3A_20 : vector<16xi32>
      tpu.vector_store_idx %arg5[%shift_right_arithmetic3A_19, %and3A_21], %broadcast_in_dim3A_5 {add = true} : memref<80x128xf32, #tpu.memory_space<vmem>>[vector<16xi32>, vector<16xi32>], vector<16xf32>,
      %get3A_22 = arith.index_cast %add3A_15 : i32 to index
      %get3A_23 = arith.constant 16 : index
      %get3A_24 = tpu.vector_load %arg4[%get3A_22, %get3A_23] {strides = array<i32>} : memref<40x128xi32, #tpu.memory_space<vmem>>, vector<16xi32>,
      %shift_right_arithmetic3A_25 = arith.constant 7 : i32
      %shift_right_arithmetic3A_26 = vector.broadcast %shift_right_arithmetic3A_25 : i32 to vector<16xi32>
      %shift_right_arithmetic3A_27 = arith.shrsi %get3A_24, %shift_right_arithmetic3A_26 : vector<16xi32>
      %and3A_28 = arith.constant 127 : i32
      %and3A_29 = vector.broadcast %and3A_28 : i32 to vector<16xi32>
      %and3A_30 = arith.andi %get3A_24, %and3A_29 : vector<16xi32>
      tpu.vector_store_idx %arg5[%shift_right_arithmetic3A_27, %and3A_30], %broadcast_in_dim3A_5 {add = true} : memref<80x128xf32, #tpu.memory_space<vmem>>[vector<16xi32>, vector<16xi32>], vector<16xf32>,
      %get3A_31 = arith.index_cast %add3A_15 : i32 to index
      %get3A_32 = arith.constant 32 : index
      %get3A_33 = tpu.vector_load %arg4[%get3A_31, %get3A_32] {strides = array<i32>} : memref<40x128xi32, #tpu.memory_space<vmem>>, vector<16xi32>,
      %shift_right_arithmetic3A_34 = arith.constant 7 : i32
      %shift_right_arithmetic3A_35 = vector.broadcast %shift_right_arithmetic3A_34 : i32 to vector<16xi32>
      %shift_right_arithmetic3A_36 = arith.shrsi %get3A_33, %shift_right_arithmetic3A_35 : vector<16xi32>
      %and3A_37 = arith.constant 127 : i32
      %and3A_38 = vector.broadcast %and3A_37 : i32 to vector<16xi32>
      %and3A_39 = arith.andi %get3A_33, %and3A_38 : vector<16xi32>
      tpu.vector_store_idx %arg5[%shift_right_arithmetic3A_36, %and3A_39], %broadcast_in_dim3A_5 {add = true} : memref<80x128xf32, #tpu.memory_space<vmem>>[vector<16xi32>, vector<16xi32>], vector<16xf32>,
      %get3A_40 = arith.index_cast %add3A_15 : i32 to index
      %get3A_41 = arith.constant 48 : index
      %get3A_42 = tpu.vector_load %arg4[%get3A_40, %get3A_41] {strides = array<i32>} : memref<40x128xi32, #tpu.memory_space<vmem>>, vector<16xi32>,
      %shift_right_arithmetic3A_43 = arith.constant 7 : i32
      %shift_right_arithmetic3A_44 = vector.broadcast %shift_right_arithmetic3A_43 : i32 to vector<16xi32>
      %shift_right_arithmetic3A_45 = arith.shrsi %get3A_42, %shift_right_arithmetic3A_44 : vector<16xi32>
      %and3A_46 = arith.constant 127 : i32
      %and3A_47 = vector.broadcast %and3A_46 : i32 to vector<16xi32>
      %and3A_48 = arith.andi %get3A_42, %and3A_47 : vector<16xi32>
      tpu.vector_store_idx %arg5[%shift_right_arithmetic3A_45, %and3A_48], %broadcast_in_dim3A_5 {add = true} : memref<80x128xf32, #tpu.memory_space<vmem>>[vector<16xi32>, vector<16xi32>], vector<16xf32>,
      %get3A_49 = arith.index_cast %add3A_15 : i32 to index
      %get3A_50 = arith.constant 64 : index
      %get3A_51 = tpu.vector_load %arg4[%get3A_49, %get3A_50] {strides = array<i32>} : memref<40x128xi32, #tpu.memory_space<vmem>>, vector<16xi32>,
      %shift_right_arithmetic3A_52 = arith.constant 7 : i32
      %shift_right_arithmetic3A_53 = vector.broadcast %shift_right_arithmetic3A_52 : i32 to vector<16xi32>
      %shift_right_arithmetic3A_54 = arith.shrsi %get3A_51, %shift_right_arithmetic3A_53 : vector<16xi32>
      %and3A_55 = arith.constant 127 : i32
      %and3A_56 = vector.broadcast %and3A_55 : i32 to vector<16xi32>
      %and3A_57 = arith.andi %get3A_51, %and3A_56 : vector<16xi32>
      tpu.vector_store_idx %arg5[%shift_right_arithmetic3A_54, %and3A_57], %broadcast_in_dim3A_5 {add = true} : memref<80x128xf32, #tpu.memory_space<vmem>>[vector<16xi32>, vector<16xi32>], vector<16xf32>,
      %get3A_58 = arith.index_cast %add3A_15 : i32 to index
      %get3A_59 = arith.constant 80 : index
      %get3A_60 = tpu.vector_load %arg4[%get3A_58, %get3A_59] {strides = array<i32>} : memref<40x128xi32, #tpu.memory_space<vmem>>, vector<16xi32>,
      %shift_right_arithmetic3A_61 = arith.constant 7 : i32
      %shift_right_arithmetic3A_62 = vector.broadcast %shift_right_arithmetic3A_61 : i32 to vector<16xi32>
      %shift_right_arithmetic3A_63 = arith.shrsi %get3A_60, %shift_right_arithmetic3A_62 : vector<16xi32>
      %and3A_64 = arith.constant 127 : i32
      %and3A_65 = vector.broadcast %and3A_64 : i32 to vector<16xi32>
      %and3A_66 = arith.andi %get3A_60, %and3A_65 : vector<16xi32>
      tpu.vector_store_idx %arg5[%shift_right_arithmetic3A_63, %and3A_66], %broadcast_in_dim3A_5 {add = true} : memref<80x128xf32, #tpu.memory_space<vmem>>[vector<16xi32>, vector<16xi32>], vector<16xf32>,
      %get3A_67 = arith.index_cast %add3A_15 : i32 to index
      %get3A_68 = arith.constant 96 : index
      %get3A_69 = tpu.vector_load %arg4[%get3A_67, %get3A_68] {strides = array<i32>} : memref<40x128xi32, #tpu.memory_space<vmem>>, vector<16xi32>,
      %shift_right_arithmetic3A_70 = arith.constant 7 : i32
      %shift_right_arithmetic3A_71 = vector.broadcast %shift_right_arithmetic3A_70 : i32 to vector<16xi32>
      %shift_right_arithmetic3A_72 = arith.shrsi %get3A_69, %shift_right_arithmetic3A_71 : vector<16xi32>
      %and3A_73 = arith.constant 127 : i32
      %and3A_74 = vector.broadcast %and3A_73 : i32 to vector<16xi32>
      %and3A_75 = arith.andi %get3A_69, %and3A_74 : vector<16xi32>
      tpu.vector_store_idx %arg5[%shift_right_arithmetic3A_72, %and3A_75], %broadcast_in_dim3A_5 {add = true} : memref<80x128xf32, #tpu.memory_space<vmem>>[vector<16xi32>, vector<16xi32>], vector<16xf32>,
      %get3A_76 = arith.index_cast %add3A_15 : i32 to index
      %get3A_77 = arith.constant 112 : index
      %get3A_78 = tpu.vector_load %arg4[%get3A_76, %get3A_77] {strides = array<i32>} : memref<40x128xi32, #tpu.memory_space<vmem>>, vector<16xi32>,
      %shift_right_arithmetic3A_79 = arith.constant 7 : i32
      %shift_right_arithmetic3A_80 = vector.broadcast %shift_right_arithmetic3A_79 : i32 to vector<16xi32>
      %shift_right_arithmetic3A_81 = arith.shrsi %get3A_78, %shift_right_arithmetic3A_80 : vector<16xi32>
      %and3A_82 = arith.constant 127 : i32
      %and3A_83 = vector.broadcast %and3A_82 : i32 to vector<16xi32>
      %and3A_84 = arith.andi %get3A_78, %and3A_83 : vector<16xi32>
      tpu.vector_store_idx %arg5[%shift_right_arithmetic3A_81, %and3A_84], %broadcast_in_dim3A_5 {add = true} : memref<80x128xf32, #tpu.memory_space<vmem>>[vector<16xi32>, vector<16xi32>], vector<16xf32>,
    }
    %scan3A_10 = arith.constant 40 : i32
    "tpu.region"() ({
      %run_scoped3A = tpu.sem_alloc : memref<!tpu.dma_semaphore, #tpu.memory_space<semaphore_mem>>
      %dma_start3A = arith.constant 0 : i32
      %dma_start3A_11 = arith.constant 0 : i32
      %dma_start3A_12 = tpu.memref_slice %arg3[%add3A, %dma_start3A, %dma_start3A_11] : memref<32x80x128xf32, #tpu.memory_space<hbm>> -> memref<1x80x128xf32, #tpu.memory_space<hbm>>
      %dma_start3A_13 = tpu.memref_squeeze %dma_start3A_12 : memref<1x80x128xf32, #tpu.memory_space<hbm>> -> memref<80x128xf32, #tpu.memory_space<hbm>>
      %dma_start3A_14 = arith.constant 0 : i32
      %dma_start3A_15 = arith.constant 0 : i32
      %dma_start3A_16 = tpu.memref_slice %arg3[%add3A, %dma_start3A_14, %dma_start3A_15] : memref<32x80x128xf32, #tpu.memory_space<hbm>> -> memref<1x80x128xf32, #tpu.memory_space<hbm>>
      %dma_start3A_17 = tpu.memref_squeeze %dma_start3A_16 : memref<1x80x128xf32, #tpu.memory_space<hbm>> -> memref<80x128xf32, #tpu.memory_space<hbm>>
      tpu.enqueue_dma source(%arg5 : memref<80x128xf32, #tpu.memory_space<vmem>>) target(%dma_start3A_17 : memref<80x128xf32, #tpu.memory_space<hbm>>) target_semaphore(%run_scoped3A : memref<!tpu.dma_semaphore, #tpu.memory_space<semaphore_mem>>)
      %dma_wait3A = arith.constant 0 : i32
      %dma_wait3A_18 = arith.constant 0 : i32
      %dma_wait3A_19 = tpu.memref_slice %arg3[%add3A, %dma_wait3A, %dma_wait3A_18] : memref<32x80x128xf32, #tpu.memory_space<hbm>> -> memref<1x80x128xf32, #tpu.memory_space<hbm>>
      %dma_wait3A_20 = tpu.memref_squeeze %dma_wait3A_19 : memref<1x80x128xf32, #tpu.memory_space<hbm>> -> memref<80x128xf32, #tpu.memory_space<hbm>>
      %dma_wait3A_21 = arith.constant 0 : i32
      %dma_wait3A_22 = arith.constant 0 : i32
      %dma_wait3A_23 = tpu.memref_slice %arg3[%add3A, %dma_wait3A_21, %dma_wait3A_22] : memref<32x80x128xf32, #tpu.memory_space<hbm>> -> memref<1x80x128xf32, #tpu.memory_space<hbm>>
      %dma_wait3A_24 = tpu.memref_squeeze %dma_wait3A_23 : memref<1x80x128xf32, #tpu.memory_space<hbm>> -> memref<80x128xf32, #tpu.memory_space<hbm>>
      tpu.wait_dma2 semaphore(%run_scoped3A : memref<!tpu.dma_semaphore, #tpu.memory_space<semaphore_mem>>) src(%arg5 : memref<80x128xf32, #tpu.memory_space<vmem>>) dst(%dma_wait3A_24 : memref<80x128xf32, #tpu.memory_space<hbm>>)
      tpu.yield
    }) : () -> ()
    return
  }
}

</mosaic_0001>

<sc_bundles>
// kernel: _degree.3.cloned.1.call-start
scs
__scs_entry_jumppad:
0x0: {  	(pc) =	sbr.rel $0x88, $3  }
0x1: {  	(tag) =	ssettag $0x0;
	lr =	simm.s32 $0x1  }
0x2: {  	[smem:$0x3FA0] =	sst lr;
	_ =	strace $0xD0000000  }
0x3: {  	_ = 	snop  }
0x4: {  	_ = 	snop  }
0x5: {  	_ = 	snop  }
0x6: {  	_ = 	snop  }
0x7: {  	_ = 	snop  }
__scs_overlays_trampoline_lowered:
0x8: {  	[smem:$0x3FAF] =	sst s0  }
0x9: {  	[smem:$0x3FB0] =	sst s1  }
0xa: {  	[smem:$0x3FB1] =	sst s2  }
0xb: {  	[smem:$0x3FB2] =	sst s3  }
0xc: {  	[smem:$0x3FB3] =	sst s4  }
0xd: {  	[smem:$0x3FB4] =	sst s5  }
0xe: {  	[smem:$0x3FB5] =	sst s6  }
0xf: {  	[smem:$0x3FB6] =	sst s7  }
0x10: {  	[smem:$0x3FB7] =	sst s8  }
0x11: {  	[smem:$0x3FB8] =	sst s9;
	s0 =	simm.s32 @!p0 $0x0  }
0x12: {  	s1 =	sld [smem:$0x3F9E];
	s0 =	simm.s32 @p0 $0x1  }
0x13: {  	[smem:$0x3FB9] =	sst s0;
	s0 =	simm.s32 @!p1 $0x0  }
0x14: {  	s2 =	sld [smem:$0x3F9D];
	s0 =	simm.s32 @p1 $0x1  }
0x15: {  	[smem:$0x3FBA] =	sst s0;
	s0 =	simm.s32 @!p2 $0x0  }
0x16: {  	s3 =	sld [smem:$0x3FDB];
	s0 =	simm.s32 @p2 $0x1  }
0x17: {  	s4 =	simm.s32 $0x1BF5;
	[smem:$0x3FBC] =	sst s0  }
0x18: {  	s0 =	sld [smem:$0x3F9F];
	_ =	swait.ge [sflag:s4], $0x0  }
0x19: {  	s7 =	sld [smem:$0x3FA0]  }
0x1a: {  	s8 =	sadd.s32 $0xFFFFE003, lr  }
0x1b: {  	s9 =	sadd.s32 $0xFFFFFEF7, lr;
	s5 =	simm.s32 $0xFFFFFFFF;
	p2 =	slt.u32 s8, $0xFFFFF086  }
0x1c: {  	p1 =	slt.u32 s9, $0xF7A;
	s5 =	simm.s32 @!p2 $0x0  }
0x1d: {  	s5 =	simm.s32 @p1 $0x1;
	p0 =	seq.s32 s7, s2  }
0x1e: {  	s7 =	smul.u32 @!p0 $0xF7A, s2;
	p2 =	seq.s32 @!p0 s5, $0x0  }
0x1f: {  	s9 =	smul.u32 $0xF7A, s1;
	s8 =	simm.s32 @!p0 $0x1BF5;
	p2 =	por !p2, p0  }
0x20: {  	[sflag:s8] =	ssyncset.s32 @!p0 $0xFFFFF086;
	s6 =	sadd.s32 @!p0 s3, s7;
	s7 =	simm.s32 @!p0 $0x108  }
0x21: {  	s3 =	sadd.s32 s3, s9;
	s6 =	sadd.s32 @!p0 $0x88, s6;
	s7 =	simm.s32 @p2 $0x1082  }
0x22: {  	[simem:s7], [sflag:s8] =	dma.local @!p0 [hbm:s6], $0xF7A  }
0x23: {  	s9 =	sor.u32 $0xD0000000, s2;
	s6 =	simm.s32 $0x108;
	_ =	swait.ge @!p0 [sflag:s8], $0x0  }
0x24: {  	s3 =	sadd.s32 $0x88, s3;
	s6 =	simm.s32 @!p1 $0x1082;
	[sflag:s4] =	ssyncset.s32 $0xFFFFF086  }
0x25: {  	[simem:s6], [sflag:s4] =	dma.local [hbm:s3], $0xF7A  }
0x26: {  	[smem:$0x3FA0] =	sst s1;
	(tag) =	ssettag s2;
	_ =	strace s9  }
0x27: {  	s1 =	sld [smem:$0x3FB0]  }
0x28: {  	s2 =	sld [smem:$0x3FB1]  }
0x29: {  	s4 =	sld [smem:$0x3FB3]  }
0x2a: {  	p0 =	seq.s32 s5, $0x0;
	s5 =	sld [smem:$0x3FB4]  }
0x2b: {  	s6 =	sld [smem:$0x3FB5]  }
0x2c: {  	s7 =	sld [smem:$0x3FB6]  }
0x2d: {  	s3 =	simm.s32 $0x108;
	s8 =	sld [smem:$0x3FB7]  }
0x2e: {  	s3 =	simm.s32 @!p0 $0x1082;
	s9 =	sld [smem:$0x3FB8]  }
0x2f: {  	lr =	sadd.s32 s0, s3;
	s0 =	sld [smem:$0x3FAF]  }
0x30: {  	s3 =	sld [smem:$0x3FB2]  }
0x31: {  	[smem:$0x3FBB] =	sst s10  }
0x32: {  	s10 =	sld [smem:$0x3FB9];
	_ =	sdelay $0x3  }
0x33: {  	p0 =	seq.s32 s10, $0x1;
	s10 =	sld [smem:$0x3FBB];
	_ =	sdelay $0x3  }
0x34: {  	[smem:$0x3FBB] =	sst s10  }
0x35: {  	s10 =	sld [smem:$0x3FBA];
	_ =	sdelay $0x3  }
0x36: {  	p1 =	seq.s32 s10, $0x1;
	s10 =	sld [smem:$0x3FBB];
	_ =	sdelay $0x3  }
0x37: {  	[smem:$0x3FBB] =	sst s10  }
0x38: {  	s10 =	sld [smem:$0x3FBC]  }
0x39: {  	_ = 	snop;
	(pc) =	sbr.ind lr, $3  }
0x3a: {  	_ = 	snop  }
0x3b: {  	_ = 	snop  }
0x3c: {  	p2 =	seq.s32 s10, $0x1;
	s10 =	sld [smem:$0x3FBB]  }
0x3d: {  	_ =	shalt  }
0x3e: {  	_ =	shalt  }
0x3f: {  	_ =	shalt  }
0x40: {  	_ =	shalt  }
0x41: {  	_ =	shalt  }
0x42: {  	_ =	shalt  }
0x43: {  	_ =	shalt  }
0x44: {  	_ =	shalt  }
0x45: {  	_ =	shalt  }
0x46: {  	_ =	shalt  }
0x47: {  	_ =	shalt  }
0x48: {  	_ =	shalt  }
0x49: {  	_ =	shalt  }
0x4a: {  	_ =	shalt  }
0x4b: {  	_ =	shalt  }
0x4c: {  	_ =	shalt  }
0x4d: {  	_ =	shalt  }
0x4e: {  	_ =	shalt  }
0x4f: {  	_ =	shalt  }
0x50: {  	_ =	shalt  }
0x51: {  	_ =	shalt  }
0x52: {  	_ =	shalt  }
0x53: {  	_ =	shalt  }
0x54: {  	_ =	shalt  }
0x55: {  	_ =	shalt  }
0x56: {  	_ =	shalt  }
0x57: {  	_ =	shalt  }
0x58: {  	_ =	shalt  }
0x59: {  	_ =	shalt  }
0x5a: {  	_ =	shalt  }
0x5b: {  	_ =	shalt  }
0x5c: {  	_ =	shalt  }
0x5d: {  	_ =	shalt  }
0x5e: {  	_ =	shalt  }
0x5f: {  	_ =	shalt  }
0x60: {  	_ =	shalt  }
0x61: {  	_ =	shalt  }
0x62: {  	_ =	shalt  }
0x63: {  	_ =	shalt  }
0x64: {  	_ =	shalt  }
0x65: {  	_ =	shalt  }
0x66: {  	_ =	shalt  }
0x67: {  	_ =	shalt  }
0x68: {  	_ =	shalt  }
0x69: {  	_ =	shalt  }
0x6a: {  	_ =	shalt  }
0x6b: {  	_ =	shalt  }
0x6c: {  	_ =	shalt  }
0x6d: {  	_ =	shalt  }
0x6e: {  	_ =	shalt  }
0x6f: {  	_ =	shalt  }
0x70: {  	_ =	shalt  }
0x71: {  	_ =	shalt  }
0x72: {  	_ =	shalt  }
0x73: {  	_ =	shalt  }
0x74: {  	_ =	shalt  }
0x75: {  	_ =	shalt  }
0x76: {  	_ =	shalt  }
0x77: {  	_ =	shalt  }
0x78: {  	_ =	shalt  }
0x79: {  	_ =	shalt  }
0x7a: {  	_ =	shalt  }
0x7b: {  	_ =	shalt  }
0x7c: {  	_ =	shalt  }
0x7d: {  	_ =	shalt  }
0x7e: {  	_ =	shalt  }
0x7f: {  	_ =	shalt  }
0x80: {  	_ =	shalt  }
0x81: {  	_ =	shalt  }
0x82: {  	_ =	shalt  }
0x83: {  	_ =	shalt  }
0x84: {  	_ =	shalt  }
0x85: {  	_ =	shalt  }
0x86: {  	_ =	shalt  }
0x87: {  	_ =	shalt  }
.Lfunc_end0:
.L_simem_size_0:
called_computation_lowered:
.L_overlay_start_0:
0x88: {  	s2 =	sld [smem:$0x3FD9]  }
0x89: {  	s3 =	sld [smem:$0x3FFE];
	_ =	sdelay $0x1  }
0x8a: {  	s1 =	srdreg.scid  }
0x8b: {  	s0 =	sand.u32 $0x1, s1  }
0x8c: {  	s18 =	sshll.u32 s0, $0xA;
	s2 =	sadd.s32 s3, s2  }
0x8d: {  	s2 =	sadd.s32 s2, s18  }
0x8e: {  	[smem:$0x3FC7] =	sst s2  }
0x8f: {  	_ = 	snop  }
0x90: {  	s2 =	sld [smem:$0x3FC9]  }
0x91: {  	s19 =	sld [smem:$0x3FD0];
	(tm) =	ssettm $0x1  }
0x92: {  	s4 =	sld [smem:$0x3FFB];
	_ =	sdelay $0x3  }
0x93: {  	_ =	strace s4  }
0x94: {  	s4 =	sld [smem:$0x3FFC];
	_ =	sdelay $0x3  }
0x95: {  	_ =	strace s4  }
0x96: {  	s4 =	sld [smem:$0x3FFD];
	_ =	sdelay $0x3  }
0x97: {  	_ =	strace s4  }
0x98: {  	_ =	strace $0x8FFFFFFF  }
0x99: {  	s20 =	sld [smem:$0x3FDB];
	_ =	sdelay $0x1  }
0x9a: {  	s5 =	simm.s32 $_scs_section_size  }
0x9b: {  	s6 =	simm.s32 $_size__tile_overlayer_lowered;
	s7 =	simm.s32 $_tile_overlayer_lowered  }
0x9c: {  	s23 =	simm.s32 $0x1BFF;
	s22 =	sshll.u32 s7, $0x1;
	s4 =	sadd.s32 s5, s20  }
0x9d: {  	s8 =	simm.s32 $0x0;
	s21 =	sshll.u32 s6, $0x1;
	s6 =	sadd.s32 s22, s4  }
0x9e: {  	[timem:s8], [sflag:s23] =	dma.local [hbm:s6], s21  }
0x9f: {  	_ =	swait.ge [sflag:s23], s21  }
0xa0: {  	s5 =	ssub.s32 $0x0, s21;
	[sflag:s23] =	ssyncset.done $0x0  }
0xa1: {  	[sflag:s23] =	ssyncadd.s32 s5;
	_ =	sdelay $0x1  }
0xa2: {  	s24 =	simm.s32 $0x1B8B  }
0xa3: {  	_ =	swait.ge [sflag:s24], $0x1  }
0xa4: {  	[sflag:s24] =	ssyncset.done $0x0  }
0xa5: {  	s25 =	simm.s32 $0x1B8E;
	[sflag:s24] =	ssyncadd.s32 $0xFFFFFFFF  }
0xa6: {  	s26 =	simm.s32 $execute0_lowered;
	[smem:$0x3FD2] =	sst s25  }
0xa7: {  	s5 =	sshll.u32 s26, $0x1;
	_ =	strace $0x80000046;
	[dreg:$0x1] =	wrdreg $0xFFFFFFFF  }
0xa8: {  	s28 =	simm.s32 $_size_execute0_lowered;
	s4 =	sadd.s32 s4, s5;
	[dreg:$0x0] =	wrdreg $0x0  }
0xa9: {  	s5 =	sshll.u32 s28, $0x1;
	[dreg:$0x2] =	wrdreg s4  }
0xaa: {  	[dreg:$0x3] =	wrdreg s5  }
0xab: {  	[dreg:$0x4] =	wrdreg $0xC0  }
0xac: {  	_ =	task [dreg:s8], $0x5FFFF  }
0xad: {  	[dreg:$0x1] =	wrdreg $0xFFFFFFFF  }
0xae: {  	[dreg:$0x0] =	wrdreg $0x60  }
0xaf: {  	[dreg:$0x2] =	wrdreg s2  }
0xb0: {  	[dreg:$0x3] =	wrdreg s19  }
0xb1: {  	[dreg:$0x4] =	wrdreg $0x9  }
0xb2: {  	_ =	task.clear_ibuf [dreg:s8], $0x5FFFF;
	_ =	strace $0x90000046  }
0xb3: {  	s29 =	simm.s32 $0x9;
	_ =	strace $0x80000048  }
0xb4: {  	_ =	swait.ge [sflag:s29], $0x1  }
0xb5: {  	[sflag:s29] =	ssyncadd.s32 $0xFFFFFFFF  }
0xb6: {  	_ =	strace $0x90000048  }
0xb7: {  	_ =	sfence  }
0xb8: {  	s30 =	sld [smem:$0x0];
	_ =	sdelay $0x2  }
0xb9: {  	s31 =	sshll.u32 s1, $0xD;
	s1 =	sshrl.u32 s1, $0x2  }
0xba: {  	s3 =	sand.u32 $0x4000, s31;
	s1 =	sadd.s32 s1, s30  }
0xbb: {  	s0 =	sor.u32 s3, s0;
	s1 =	sshll.u32 s1, $0x11  }
0xbc: {  	s0 =	sor.u32 s1, s0  }
0xbd: {  	s0 =	sadd.s32 $0x8F2B, s0  }
0xbe: {  	[sflag:s0] =	ssyncadd.remote.s32 $0x1  }
0xbf: {  	_ =	sfence.sel $0xFFFF  }
0xc0: {  	[dreg:$0x0] =	wrdreg $0xFFFFFFFF;
	(pc) =	sbr.abs _section_cstart, $3  }
0xc1: {  	[dreg:$0x1] =	wrdreg $0xFFFFFFFF  }
0xc2: {  	_ =	task.clear_ibuf [dreg:s8], $0x2FFFF;
	_ =	strace $0x9FFFFFFF  }
0xc3: {  	(tm) =	ssettm $0x7FFFFFFF  }
tec
execute0_lowered:
.L_overlay_start_1:
0x0: {  	(tag) =	ssettag $0x1  }
0x1: {  	s0 =	srdreg.scid  }
0x2: {  	s4 =	sand.u32 $0x1, s0  }
0x3: {  	s3 =	rddreg [dreg:$0x0];
	s1 =	stileid.u32;
	s2 =	sshll.u32 s4, $0x4  }
0x4: {  	s5 =	rddreg [dreg:$0x1];
	s6 =	sor.u32 s1, s2  }
0x5: {  	s4 =	ssub.s32 $0x2, s4;
	s2 =	simm.s32 $0x0;
	s7 =	smul.u32 $0x280, s6  }
0x6: {  	s8 =	sshrl.u32 s4, $0x1;
	[smem:$0x7FF] =	sst s2;
	s6 =	smul.u32 $0x500, s6  }
0x7: {  	s0 =	rddreg [dreg:$0x2];
	s8 =	ssub.s32 s4, s8;
	_ =	strace $0x80000047  }
0x8: {  	s3 =	sadd.s32 s3, s7;
	s4 =	sadd.s32 s5, s6;
	s5 =	smax.u32 s8, $0x1  }
0x9: {  	v0 =	vimm.f32 $0.0e+00;
	v1 =	vimm.f32 $1.000000000e+00;
	s6 =	simm.s32 $0x1;
	s7 =	simm.s32 $0x1400;
	s8 =	simm.s32 $0x0  }
.LBB2_1:
0xa: {  	[tilespmem:s2], [sflag:$0x1] =	stream.linear.gather [hbm4b:s3+s2], $0x1400, $0x38;
	[tilespmem:$0x3C00] =	vst v63  }
0xb: {  	_ =	swait.ge [sflag:s6], $0x1400  }
0xc: {  	[sflag:s6] =	ssyncset.done $0x0  }
0xd: {  	s9 =	simm.s32 $0x0;
	s10 =	simm.s32 $0x200;
	[sflag:s6] =	ssyncadd.s32 $0xFFFFEC00  }
.LBB2_2:
0xe: {  	p0 =	sne.s32 s10, $0x9E00;
	[tilespmem:s9+$0x1470] =	vst v0  }
0xf: {  	[tilespmem:s9+$0x1400] =	vst v0  }
0x10: {  	[tilespmem:s9+$0x1410] =	vst v0  }
.Ltmp0:
0x11: {  	[tilespmem:s9+$0x1420] =	vst v0;
	(pc) =	sbr.rel @p0 .LBB2_2-.Ltmp0, $4  }
0x12: {  	[tilespmem:s9+$0x1430] =	vst v0  }
0x13: {  	[tilespmem:s9+$0x1440] =	vst v0  }
0x14: {  	[tilespmem:s9+$0x1450] =	vst v0  }
0x15: {  	[tilespmem:s9+$0x1460] =	vst v0;
	s9 =	sshra.s32 s10, $0x2;
	s10 =	sadd.s32 $0x200, s10  }
0x16: {  	[tilespmem:s9+$0x1470] =	vst v0  }
0x17: {  	[tilespmem:s9+$0x1400] =	vst v0  }
0x18: {  	[tilespmem:s9+$0x1410] =	vst v0  }
0x19: {  	[tilespmem:s9+$0x1420] =	vst v0  }
0x1a: {  	[tilespmem:s9+$0x1430] =	vst v0  }
0x1b: {  	[tilespmem:s9+$0x1440] =	vst v0  }
0x1c: {  	[tilespmem:s9+$0x1450] =	vst v0  }
0x1d: {  	[tilespmem:s9+$0x1460] =	vst v0;
	s9 =	simm.s32 $0x0  }
.LBB2_4:
0x1e: {  	s10 =	sshra.s32 s9, $0x2  }
0x1f: {  	v2 =	vld [tilespmem:s10+$0x0];
	_ =	sdelay $0x7  }
0x20: {  	[tilespmem:v2+s7+$0x0] =	vst.idx.add.f32.msk $0xffff, v1  }
0x21: {  	v2 =	vld [tilespmem:s10+$0x10];
	_ =	sdelay $0x7  }
0x22: {  	[tilespmem:v2+s7+$0x0] =	vst.idx.add.f32.msk $0xffff, v1  }
0x23: {  	v2 =	vld [tilespmem:s10+$0x20];
	_ =	sdelay $0x7  }
0x24: {  	[tilespmem:v2+s7+$0x0] =	vst.idx.add.f32.msk $0xffff, v1  }
0x25: {  	v2 =	vld [tilespmem:s10+$0x30];
	_ =	sdelay $0x7  }
0x26: {  	[tilespmem:v2+s7+$0x0] =	vst.idx.add.f32.msk $0xffff, v1  }
0x27: {  	v2 =	vld [tilespmem:s10+$0x40];
	_ =	sdelay $0x7  }
0x28: {  	[tilespmem:v2+s7+$0x0] =	vst.idx.add.f32.msk $0xffff, v1  }
0x29: {  	v2 =	vld [tilespmem:s10+$0x50];
	_ =	sdelay $0x7  }
0x2a: {  	[tilespmem:v2+s7+$0x0] =	vst.idx.add.f32.msk $0xffff, v1  }
0x2b: {  	v2 =	vld [tilespmem:s10+$0x60];
	_ =	sdelay $0x7  }
0x2c: {  	[tilespmem:v2+s7+$0x0] =	vst.idx.add.f32.msk $0xffff, v1  }
0x2d: {  	v2 =	vld [tilespmem:s10+$0x70];
	_ =	sdelay $0x2  }
0x2e: {  	p0 =	sne.s32 s9, $0x4E00  }
.Ltmp1:
0x2f: {  	_ = 	snop;
	(pc) =	sbr.rel @p0 .LBB2_4-.Ltmp1, $2  }
0x30: {  	_ =	sdelay $0x2  }
0x31: {  	s9 =	sadd.s32 $0x200, s9;
	[tilespmem:v2+s7+$0x0] =	vst.idx.add.f32.msk $0xffff, v1  }
0x32: {  	s8 =	sadd.s32 $0x1, s8  }
0x33: {  	p0 =	sne.s32 s8, s5  }
.Ltmp2:
0x34: {  	_ = 	snop;
	(pc) =	sbr.rel @p0 .LBB2_1-.Ltmp2, $4  }
0x35: {  	[hbm4b:s4+s2] =	stream.linear.scatter [tilespmem:s7], [sflag:$0x1], $0x2800, $0x38;
	[tilespmem:$0x3C00] =	vst v63  }
0x36: {  	_ =	swait.ge [sflag:s6], $0x2800  }
0x37: {  	[sflag:s6] =	ssyncset.done $0x0  }
0x38: {  	[sflag:s6] =	ssyncadd.s32 $0xFFFFD800  }
0x39: {  	_ =	sfence.sel $0x180000  }
0x3a: {  	[bflag:$0x0] =	sbarrier.arrive $0xFFFF  }
0x3b: {  	p0 =	sne.s32 s1, $0x0;
	_ =	strace $0x90000047  }
0x3c: {  	s0 =	sadd.s32 @!p0 $0x100000, s0;
	[bflag:$0x2] =	sbarrier.arrive $0xFFFF  }
0x3d: {  	[sflag:s0] =	ssyncadd.tile.s32 @!p0 $0x1;
	_ =	shalt  }
.Lfunc_end2:
_tile_overlayer_lowered:
.L_overlay_start_2:
0x3e: {  	(tag) =	ssettag $0x2  }
0x3f: {  	s0 =	rddreg [dreg:$0x0];
	s2 =	stileid.u32  }
0x40: {  	s1 =	rddreg [dreg:$0x1];
	p0 =	sne.s32 s2, $0x0  }
0x41: {  	s3 =	rddreg [dreg:$0x2];
	[bflag:$0x3] =	sbarrier.arrive $0xFFFF;
	s2 =	simm.s32 @!p0 $0x1C01  }
0x42: {  	[timem:s3], [sflag:s2] =	dma.local @!p0 [hbm:s0], s1  }
0x43: {  	s0 =	simm.s32 @!p0 $0x1  }
0x44: {  	_ =	swait.ge @!p0 [sflag:s0], s1  }
0x45: {  	s1 =	ssub.s32 @!p0 $0x0, s1;
	[sflag:s0] =	ssyncset.done @!p0 $0x0  }
0x46: {  	[sflag:s0] =	ssyncadd.s32 @!p0 s1  }
0x47: {  	[bflag:$0x3] =	sbarrier.arrive $0xFFFF  }
0x48: {  	_ =	shalt  }

</sc_bundles>
